<compile_context>
chip_gen: v7x
topology: tpu7x:2x2x1
jax: 0.10.2.dev20260603
libtpu: 0.0.44.dev20260713+nightly
codegen_flags: <defaults>
</compile_context>

<pallas_src>
import jax
import jax.numpy as jnp
from jax import lax
from jax.experimental import pallas as pl
from jax.experimental.pallas import tpu as pltpu
from jax.experimental.pallas import tpu_sc as plsc

MAX_LEN = 4096
EMB = 128
BATCH = 4

NC = 2
NS = 16
NW = NC * NS
S_CHUNK = MAX_LEN // NW
ROWS_W = BATCH * S_CHUNK


def _sc_body(x_hbm, pos_hbm, idx_hbm, out_hbm, idx_v, pos_v, acc_sh,
             sems, out_sem):
    cid = lax.axis_index("c")
    sid = lax.axis_index("s")
    wid = sid * NC + cid
    s0 = wid * S_CHUNK
    base = sid * ROWS_W

    in_copies = [
        pltpu.async_copy(
            x_hbm.at[pl.ds(b * MAX_LEN + s0, S_CHUNK)],
            acc_sh.at[pl.ds(base + b * S_CHUNK, S_CHUNK)],
            sems.at[b],
        )
        for b in range(BATCH)
    ]
    pltpu.sync_copy(idx_hbm.at[sid], idx_v)
    pltpu.sync_copy(pos_hbm.at[pl.ds(s0, S_CHUNK)], pos_v)
    out_copies = []
    for b in range(BATCH):
        in_copies[b].wait()
        pltpu.sync_copy(pos_v, acc_sh.at[idx_v.at[b]], add=True)
        out_copies.append(
            pltpu.async_copy(
                acc_sh.at[pl.ds(base + b * S_CHUNK, S_CHUNK)],
                out_hbm.at[pl.ds(b * MAX_LEN + s0, S_CHUNK)],
                out_sem,
            )
        )
    for c in out_copies:
        c.wait()


def kernel(x, pos_table):
    x2 = x.reshape(BATCH * MAX_LEN, EMB)
    idx = (
        jnp.arange(NS)[:, None, None] * ROWS_W
        + jnp.arange(BATCH)[None, :, None] * S_CHUNK
        + jnp.arange(S_CHUNK)[None, None, :]
    ).astype(jnp.int32)

    mesh = plsc.VectorSubcoreMesh(
        core_axis_name="c", subcore_axis_name="s", num_cores=NC, num_subcores=NS
    )
    out = pl.kernel(
        _sc_body,
        out_type=jax.ShapeDtypeStruct((BATCH * MAX_LEN, EMB), jnp.float32),
        mesh=mesh,
        scratch_types=[
            pltpu.VMEM((BATCH, S_CHUNK), jnp.int32),
            pltpu.VMEM((S_CHUNK, EMB), jnp.float32),
            pltpu.VMEM_SHARED((NS * ROWS_W, EMB), jnp.float32),
            pltpu.SemaphoreType.DMA((BATCH,)),
            pltpu.SemaphoreType.DMA,
        ],
    )(x2, pos_table, idx)
    return out.reshape(BATCH, MAX_LEN, EMB)

# --- scband reference (transcript-rebuilt; emitter-appended) ---
"""Pipeline reference for scband-token-and-position-embedding-1185410974061 (READ-ONLY COPY).

The authoritative reference and input builder live on the scoring server;
editing this copy changes nothing except your own understanding.
"""

import jax, jax.numpy as jnp
import numpy as np

MAX_LEN = 4096
EMB = 128
BATCH = 4

def setup_inputs(seed: int = 0) -> dict:
    key = jax.random.key(seed)
    k1, k2 = jax.random.split(key)
    x = jax.random.normal(k1, (BATCH, MAX_LEN, EMB), dtype=jnp.float32)
    # learned positional embedding table (Keras Embedding default init ~ uniform small)
    pos_table = jax.random.uniform(k2, (MAX_LEN, EMB), dtype=jnp.float32, minval=-0.05, maxval=0.05)
    return {"x": x, "pos_table": pos_table}

def reference(x, pos_table):
    # positions = range(0, max_len); pos_emb lookup -> gather rows of the table
    positions = jnp.take(pos_table, jnp.arange(MAX_LEN), axis=0)
    # num_heads == 1 -> no Dense sensor_emb; just add positional embeddings (broadcast over batch)
    return x + positions[None, :, :]

if __name__ == "__main__":
    import jax
    _d = setup_inputs()
    print(jax.jit(kernel)(*tuple(_d.values())))

</pallas_src>

<mosaic_0001>
#map = affine_map<(d0, d1) -> (0, 0)>
#map1 = affine_map<(d0, d1) -> (0, 0, 0)>
module attributes {stable_mosaic.version = 14 : i64} {
  func.func @_sc_body(%arg0: i32, %arg1: i32, %arg2: memref<16384x128xf32, #tpu.memory_space<hbm>>, %arg3: memref<4096x128xf32, #tpu.memory_space<hbm>>, %arg4: memref<16x4x128xi32, #tpu.memory_space<hbm>>, %arg5: memref<16384x128xf32, #tpu.memory_space<hbm>>, %arg6: memref<4x128xi32, #tpu.memory_space<vmem>>, %arg7: memref<128x128xf32, #tpu.memory_space<vmem>>, %arg8: memref<8192x128xf32, #tpu.memory_space<vmem_shared>>, %arg9: memref<4x!tpu.dma_semaphore, #tpu.memory_space<semaphore_mem>>, %arg10: memref<!tpu.dma_semaphore, #tpu.memory_space<semaphore_mem>>) attributes {dimension_semantics = [#tpu.dimension_semantics<core_parallel>, #tpu.dimension_semantics<subcore_parallel>], iteration_bounds = array<i64: 2, 16>, scalar_prefetch = 0 : i64, scratch_operands = 5 : i64, tpu.core_type = #tpu.core_type<sc_vector_subcore>, window_params = [{transform_indices = #map}, {transform_indices = #map}, {transform_indices = #map1}, {transform_indices = #map}]} {
    %mul3A = arith.constant 2 : i32
    %mul3A_0 = arith.muli %arg1, %mul3A : i32
    %add3A = arith.addi %mul3A_0, %arg0 : i32
    %mul3A_1 = arith.constant 128 : i32
    %mul3A_2 = arith.muli %add3A, %mul3A_1 : i32
    %mul3A_3 = arith.constant 512 : i32
    %mul3A_4 = arith.muli %arg1, %mul3A_3 : i32
    %add3A_5 = arith.constant 0 : i32
    %add3A_6 = arith.addi %add3A_5, %mul3A_2 : i32
    %add3A_7 = arith.constant 0 : i32
    %add3A_8 = arith.addi %mul3A_4, %add3A_7 : i32
    %dma_start3A = arith.constant 0 : i32
    %dma_start3A_9 = tpu.memref_slice %arg9[%dma_start3A] : memref<4x!tpu.dma_semaphore, #tpu.memory_space<semaphore_mem>> -> memref<1x!tpu.dma_semaphore, #tpu.memory_space<semaphore_mem>>
    %dma_start3A_10 = tpu.memref_squeeze %dma_start3A_9 : memref<1x!tpu.dma_semaphore, #tpu.memory_space<semaphore_mem>> -> memref<!tpu.dma_semaphore, #tpu.memory_space<semaphore_mem>>
    %dma_start3A_11 = arith.constant 0 : i32
    %dma_start3A_12 = tpu.memref_slice %arg8[%add3A_8, %dma_start3A_11] : memref<8192x128xf32, #tpu.memory_space<vmem_shared>> -> memref<128x128xf32, #tpu.memory_space<vmem_shared>>
    %dma_start3A_13 = arith.constant 0 : i32
    %dma_start3A_14 = tpu.memref_slice %arg2[%add3A_6, %dma_start3A_13] : memref<16384x128xf32, #tpu.memory_space<hbm>> -> memref<128x128xf32, #tpu.memory_space<hbm>>
    tpu.enqueue_dma source(%dma_start3A_14 : memref<128x128xf32, #tpu.memory_space<hbm>>) target(%dma_start3A_12 : memref<128x128xf32, #tpu.memory_space<vmem_shared>>) target_semaphore(%dma_start3A_10 : memref<!tpu.dma_semaphore, #tpu.memory_space<semaphore_mem>>)
    %add3A_15 = arith.constant 4096 : i32
    %add3A_16 = arith.addi %add3A_15, %mul3A_2 : i32
    %add3A_17 = arith.constant 128 : i32
    %add3A_18 = arith.addi %mul3A_4, %add3A_17 : i32
    %dma_start3A_19 = arith.constant 1 : i32
    %dma_start3A_20 = tpu.memref_slice %arg9[%dma_start3A_19] : memref<4x!tpu.dma_semaphore, #tpu.memory_space<semaphore_mem>> -> memref<1x!tpu.dma_semaphore, #tpu.memory_space<semaphore_mem>>
    %dma_start3A_21 = tpu.memref_squeeze %dma_start3A_20 : memref<1x!tpu.dma_semaphore, #tpu.memory_space<semaphore_mem>> -> memref<!tpu.dma_semaphore, #tpu.memory_space<semaphore_mem>>
    %dma_start3A_22 = arith.constant 0 : i32
    %dma_start3A_23 = tpu.memref_slice %arg8[%add3A_18, %dma_start3A_22] : memref<8192x128xf32, #tpu.memory_space<vmem_shared>> -> memref<128x128xf32, #tpu.memory_space<vmem_shared>>
    %dma_start3A_24 = arith.constant 0 : i32
    %dma_start3A_25 = tpu.memref_slice %arg2[%add3A_16, %dma_start3A_24] : memref<16384x128xf32, #tpu.memory_space<hbm>> -> memref<128x128xf32, #tpu.memory_space<hbm>>
    tpu.enqueue_dma source(%dma_start3A_25 : memref<128x128xf32, #tpu.memory_space<hbm>>) target(%dma_start3A_23 : memref<128x128xf32, #tpu.memory_space<vmem_shared>>) target_semaphore(%dma_start3A_21 : memref<!tpu.dma_semaphore, #tpu.memory_space<semaphore_mem>>)
    %add3A_26 = arith.constant 8192 : i32
    %add3A_27 = arith.addi %add3A_26, %mul3A_2 : i32
    %add3A_28 = arith.constant 256 : i32
    %add3A_29 = arith.addi %mul3A_4, %add3A_28 : i32
    %dma_start3A_30 = arith.constant 2 : i32
    %dma_start3A_31 = tpu.memref_slice %arg9[%dma_start3A_30] : memref<4x!tpu.dma_semaphore, #tpu.memory_space<semaphore_mem>> -> memref<1x!tpu.dma_semaphore, #tpu.memory_space<semaphore_mem>>
    %dma_start3A_32 = tpu.memref_squeeze %dma_start3A_31 : memref<1x!tpu.dma_semaphore, #tpu.memory_space<semaphore_mem>> -> memref<!tpu.dma_semaphore, #tpu.memory_space<semaphore_mem>>
    %dma_start3A_33 = arith.constant 0 : i32
    %dma_start3A_34 = tpu.memref_slice %arg8[%add3A_29, %dma_start3A_33] : memref<8192x128xf32, #tpu.memory_space<vmem_shared>> -> memref<128x128xf32, #tpu.memory_space<vmem_shared>>
    %dma_start3A_35 = arith.constant 0 : i32
    %dma_start3A_36 = tpu.memref_slice %arg2[%add3A_27, %dma_start3A_35] : memref<16384x128xf32, #tpu.memory_space<hbm>> -> memref<128x128xf32, #tpu.memory_space<hbm>>
    tpu.enqueue_dma source(%dma_start3A_36 : memref<128x128xf32, #tpu.memory_space<hbm>>) target(%dma_start3A_34 : memref<128x128xf32, #tpu.memory_space<vmem_shared>>) target_semaphore(%dma_start3A_32 : memref<!tpu.dma_semaphore, #tpu.memory_space<semaphore_mem>>)
    %add3A_37 = arith.constant 12288 : i32
    %add3A_38 = arith.addi %add3A_37, %mul3A_2 : i32
    %add3A_39 = arith.constant 384 : i32
    %add3A_40 = arith.addi %mul3A_4, %add3A_39 : i32
    %dma_start3A_41 = arith.constant 3 : i32
    %dma_start3A_42 = tpu.memref_slice %arg9[%dma_start3A_41] : memref<4x!tpu.dma_semaphore, #tpu.memory_space<semaphore_mem>> -> memref<1x!tpu.dma_semaphore, #tpu.memory_space<semaphore_mem>>
    %dma_start3A_43 = tpu.memref_squeeze %dma_start3A_42 : memref<1x!tpu.dma_semaphore, #tpu.memory_space<semaphore_mem>> -> memref<!tpu.dma_semaphore, #tpu.memory_space<semaphore_mem>>
    %dma_start3A_44 = arith.constant 0 : i32
    %dma_start3A_45 = tpu.memref_slice %arg8[%add3A_40, %dma_start3A_44] : memref<8192x128xf32, #tpu.memory_space<vmem_shared>> -> memref<128x128xf32, #tpu.memory_space<vmem_shared>>
    %dma_start3A_46 = arith.constant 0 : i32
    %dma_start3A_47 = tpu.memref_slice %arg2[%add3A_38, %dma_start3A_46] : memref<16384x128xf32, #tpu.memory_space<hbm>> -> memref<128x128xf32, #tpu.memory_space<hbm>>
    tpu.enqueue_dma source(%dma_start3A_47 : memref<128x128xf32, #tpu.memory_space<hbm>>) target(%dma_start3A_45 : memref<128x128xf32, #tpu.memory_space<vmem_shared>>) target_semaphore(%dma_start3A_43 : memref<!tpu.dma_semaphore, #tpu.memory_space<semaphore_mem>>)
    "tpu.region"() ({
      %run_scoped3A_126 = tpu.sem_alloc : memref<!tpu.dma_semaphore, #tpu.memory_space<semaphore_mem>>
      %dma_start3A_127 = arith.constant 0 : i32
      %dma_start3A_128 = arith.constant 0 : i32
      %dma_start3A_129 = tpu.memref_slice %arg4[%arg1, %dma_start3A_127, %dma_start3A_128] : memref<16x4x128xi32, #tpu.memory_space<hbm>> -> memref<1x4x128xi32, #tpu.memory_space<hbm>>
      %dma_start3A_130 = tpu.memref_squeeze %dma_start3A_129 : memref<1x4x128xi32, #tpu.memory_space<hbm>> -> memref<4x128xi32, #tpu.memory_space<hbm>>
      %dma_start3A_131 = arith.constant 0 : i32
      %dma_start3A_132 = arith.constant 0 : i32
      %dma_start3A_133 = tpu.memref_slice %arg4[%arg1, %dma_start3A_131, %dma_start3A_132] : memref<16x4x128xi32, #tpu.memory_space<hbm>> -> memref<1x4x128xi32, #tpu.memory_space<hbm>>
      %dma_start3A_134 = tpu.memref_squeeze %dma_start3A_133 : memref<1x4x128xi32, #tpu.memory_space<hbm>> -> memref<4x128xi32, #tpu.memory_space<hbm>>
      tpu.enqueue_dma source(%dma_start3A_134 : memref<4x128xi32, #tpu.memory_space<hbm>>) target(%arg6 : memref<4x128xi32, #tpu.memory_space<vmem>>) target_semaphore(%run_scoped3A_126 : memref<!tpu.dma_semaphore, #tpu.memory_space<semaphore_mem>>)
      %dma_wait3A_135 = arith.constant 0 : i32
      %dma_wait3A_136 = arith.constant 0 : i32
      %dma_wait3A_137 = tpu.memref_slice %arg4[%arg1, %dma_wait3A_135, %dma_wait3A_136] : memref<16x4x128xi32, #tpu.memory_space<hbm>> -> memref<1x4x128xi32, #tpu.memory_space<hbm>>
      %dma_wait3A_138 = tpu.memref_squeeze %dma_wait3A_137 : memref<1x4x128xi32, #tpu.memory_space<hbm>> -> memref<4x128xi32, #tpu.memory_space<hbm>>
      %dma_wait3A_139 = arith.constant 0 : i32
      %dma_wait3A_140 = arith.constant 0 : i32
      %dma_wait3A_141 = tpu.memref_slice %arg4[%arg1, %dma_wait3A_139, %dma_wait3A_140] : memref<16x4x128xi32, #tpu.memory_space<hbm>> -> memref<1x4x128xi32, #tpu.memory_space<hbm>>
      %dma_wait3A_142 = tpu.memref_squeeze %dma_wait3A_141 : memref<1x4x128xi32, #tpu.memory_space<hbm>> -> memref<4x128xi32, #tpu.memory_space<hbm>>
      tpu.wait_dma2 semaphore(%run_scoped3A_126 : memref<!tpu.dma_semaphore, #tpu.memory_space<semaphore_mem>>) src(%dma_wait3A_142 : memref<4x128xi32, #tpu.memory_space<hbm>>) dst(%arg6 : memref<4x128xi32, #tpu.memory_space<vmem>>)
      tpu.yield
    }) : () -> ()
    "tpu.region"() ({
      %run_scoped3A_126 = tpu.sem_alloc : memref<!tpu.dma_semaphore, #tpu.memory_space<semaphore_mem>>
      %dma_start3A_127 = arith.constant 0 : i32
      %dma_start3A_128 = tpu.memref_slice %arg3[%mul3A_2, %dma_start3A_127] : memref<4096x128xf32, #tpu.memory_space<hbm>> -> memref<128x128xf32, #tpu.memory_space<hbm>>
      %dma_start3A_129 = arith.constant 0 : i32
      %dma_start3A_130 = tpu.memref_slice %arg3[%mul3A_2, %dma_start3A_129] : memref<4096x128xf32, #tpu.memory_space<hbm>> -> memref<128x128xf32, #tpu.memory_space<hbm>>
      tpu.enqueue_dma source(%dma_start3A_130 : memref<128x128xf32, #tpu.memory_space<hbm>>) target(%arg7 : memref<128x128xf32, #tpu.memory_space<vmem>>) target_semaphore(%run_scoped3A_126 : memref<!tpu.dma_semaphore, #tpu.memory_space<semaphore_mem>>)
      %dma_wait3A_131 = arith.constant 0 : i32
      %dma_wait3A_132 = tpu.memref_slice %arg3[%mul3A_2, %dma_wait3A_131] : memref<4096x128xf32, #tpu.memory_space<hbm>> -> memref<128x128xf32, #tpu.memory_space<hbm>>
      %dma_wait3A_133 = arith.constant 0 : i32
      %dma_wait3A_134 = tpu.memref_slice %arg3[%mul3A_2, %dma_wait3A_133] : memref<4096x128xf32, #tpu.memory_space<hbm>> -> memref<128x128xf32, #tpu.memory_space<hbm>>
      tpu.wait_dma2 semaphore(%run_scoped3A_126 : memref<!tpu.dma_semaphore, #tpu.memory_space<semaphore_mem>>) src(%dma_wait3A_134 : memref<128x128xf32, #tpu.memory_space<hbm>>) dst(%arg7 : memref<128x128xf32, #tpu.memory_space<vmem>>)
      tpu.yield
    }) : () -> ()
    %dma_wait3A = arith.constant 0 : i32
    %dma_wait3A_48 = tpu.memref_slice %arg9[%dma_wait3A] : memref<4x!tpu.dma_semaphore, #tpu.memory_space<semaphore_mem>> -> memref<1x!tpu.dma_semaphore, #tpu.memory_space<semaphore_mem>>
    %dma_wait3A_49 = tpu.memref_squeeze %dma_wait3A_48 : memref<1x!tpu.dma_semaphore, #tpu.memory_space<semaphore_mem>> -> memref<!tpu.dma_semaphore, #tpu.memory_space<semaphore_mem>>
    %dma_wait3A_50 = arith.constant 0 : i32
    %dma_wait3A_51 = tpu.memref_slice %arg8[%add3A_8, %dma_wait3A_50] : memref<8192x128xf32, #tpu.memory_space<vmem_shared>> -> memref<128x128xf32, #tpu.memory_space<vmem_shared>>
    %dma_wait3A_52 = arith.constant 0 : i32
    %dma_wait3A_53 = tpu.memref_slice %arg2[%add3A_6, %dma_wait3A_52] : memref<16384x128xf32, #tpu.memory_space<hbm>> -> memref<128x128xf32, #tpu.memory_space<hbm>>
    tpu.wait_dma2 semaphore(%dma_wait3A_49 : memref<!tpu.dma_semaphore, #tpu.memory_space<semaphore_mem>>) src(%dma_wait3A_53 : memref<128x128xf32, #tpu.memory_space<hbm>>) dst(%dma_wait3A_51 : memref<128x128xf32, #tpu.memory_space<vmem_shared>>)
    %run_scoped3A = arith.constant 0 : i32
    "tpu.region"() ({
      %run_scoped3A_126 = tpu.sem_alloc : memref<!tpu.dma_semaphore, #tpu.memory_space<semaphore_mem>>
      %dma_start3A_127 = arith.constant 0 : i32
      %dma_start3A_128 = tpu.memref_slice %arg6[%run_scoped3A, %dma_start3A_127] : memref<4x128xi32, #tpu.memory_space<vmem>> -> memref<1x128xi32, #tpu.memory_space<vmem>>
      %dma_start3A_129 = tpu.memref_squeeze %dma_start3A_128 : memref<1x128xi32, #tpu.memory_space<vmem>> -> memref<128xi32, #tpu.memory_space<vmem>>
      %dma_start3A_130 = arith.constant 0 : i32
      %dma_start3A_131 = arith.constant 0 : i32
      %dma_start3A_132 = tpu.memref_slice %arg8[%dma_start3A_130, %dma_start3A_131] : memref<8192x128xf32, #tpu.memory_space<vmem_shared>> -> memref<8192x128xf32, #tpu.memory_space<vmem_shared>>
      tpu.enqueue_indirect_dma source(%arg7 : memref<128x128xf32, #tpu.memory_space<vmem>>) target(%dma_start3A_132 : memref<8192x128xf32, #tpu.memory_space<vmem_shared>>) offsets(%dma_start3A_129 : memref<128xi32, #tpu.memory_space<vmem>>) semaphore(%run_scoped3A_126 : memref<!tpu.dma_semaphore, #tpu.memory_space<semaphore_mem>>) {add = true}
      %dma_wait3A_133 = arith.constant 0 : i32
      %dma_wait3A_134 = tpu.memref_slice %arg6[%run_scoped3A, %dma_wait3A_133] : memref<4x128xi32, #tpu.memory_space<vmem>> -> memref<1x128xi32, #tpu.memory_space<vmem>>
      %dma_wait3A_135 = tpu.memref_squeeze %dma_wait3A_134 : memref<1x128xi32, #tpu.memory_space<vmem>> -> memref<128xi32, #tpu.memory_space<vmem>>
      %dma_wait3A_136 = arith.constant 0 : i32
      %dma_wait3A_137 = arith.constant 0 : i32
      %dma_wait3A_138 = tpu.memref_slice %arg8[%dma_wait3A_136, %dma_wait3A_137] : memref<8192x128xf32, #tpu.memory_space<vmem_shared>> -> memref<8192x128xf32, #tpu.memory_space<vmem_shared>>
      tpu.wait_indirect_dma semaphore(%run_scoped3A_126 : memref<!tpu.dma_semaphore, #tpu.memory_space<semaphore_mem>>) src(%arg7 : memref<128x128xf32, #tpu.memory_space<vmem>>) dst(%dma_wait3A_138 : memref<8192x128xf32, #tpu.memory_space<vmem_shared>>)
      tpu.yield
    }) : () -> ()
    %add3A_54 = arith.constant 0 : i32
    %add3A_55 = arith.addi %mul3A_4, %add3A_54 : i32
    %add3A_56 = arith.constant 0 : i32
    %add3A_57 = arith.addi %add3A_56, %mul3A_2 : i32
    %dma_start3A_58 = arith.constant 0 : i32
    %dma_start3A_59 = tpu.memref_slice %arg5[%add3A_57, %dma_start3A_58] : memref<16384x128xf32, #tpu.memory_space<hbm>> -> memref<128x128xf32, #tpu.memory_space<hbm>>
    %dma_start3A_60 = arith.constant 0 : i32
    %dma_start3A_61 = tpu.memref_slice %arg8[%add3A_55, %dma_start3A_60] : memref<8192x128xf32, #tpu.memory_space<vmem_shared>> -> memref<128x128xf32, #tpu.memory_space<vmem_shared>>
    tpu.enqueue_dma source(%dma_start3A_61 : memref<128x128xf32, #tpu.memory_space<vmem_shared>>) target(%dma_start3A_59 : memref<128x128xf32, #tpu.memory_space<hbm>>) target_semaphore(%arg10 : memref<!tpu.dma_semaphore, #tpu.memory_space<semaphore_mem>>)
    %dma_wait3A_62 = arith.constant 1 : i32
    %dma_wait3A_63 = tpu.memref_slice %arg9[%dma_wait3A_62] : memref<4x!tpu.dma_semaphore, #tpu.memory_space<semaphore_mem>> -> memref<1x!tpu.dma_semaphore, #tpu.memory_space<semaphore_mem>>
    %dma_wait3A_64 = tpu.memref_squeeze %dma_wait3A_63 : memref<1x!tpu.dma_semaphore, #tpu.memory_space<semaphore_mem>> -> memref<!tpu.dma_semaphore, #tpu.memory_space<semaphore_mem>>
    %dma_wait3A_65 = arith.constant 0 : i32
    %dma_wait3A_66 = tpu.memref_slice %arg8[%add3A_18, %dma_wait3A_65] : memref<8192x128xf32, #tpu.memory_space<vmem_shared>> -> memref<128x128xf32, #tpu.memory_space<vmem_shared>>
    %dma_wait3A_67 = arith.constant 0 : i32
    %dma_wait3A_68 = tpu.memref_slice %arg2[%add3A_16, %dma_wait3A_67] : memref<16384x128xf32, #tpu.memory_space<hbm>> -> memref<128x128xf32, #tpu.memory_space<hbm>>
    tpu.wait_dma2 semaphore(%dma_wait3A_64 : memref<!tpu.dma_semaphore, #tpu.memory_space<semaphore_mem>>) src(%dma_wait3A_68 : memref<128x128xf32, #tpu.memory_space<hbm>>) dst(%dma_wait3A_66 : memref<128x128xf32, #tpu.memory_space<vmem_shared>>)
    %run_scoped3A_69 = arith.constant 1 : i32
    "tpu.region"() ({
      %run_scoped3A_126 = tpu.sem_alloc : memref<!tpu.dma_semaphore, #tpu.memory_space<semaphore_mem>>
      %dma_start3A_127 = arith.constant 0 : i32
      %dma_start3A_128 = tpu.memref_slice %arg6[%run_scoped3A_69, %dma_start3A_127] : memref<4x128xi32, #tpu.memory_space<vmem>> -> memref<1x128xi32, #tpu.memory_space<vmem>>
      %dma_start3A_129 = tpu.memref_squeeze %dma_start3A_128 : memref<1x128xi32, #tpu.memory_space<vmem>> -> memref<128xi32, #tpu.memory_space<vmem>>
      %dma_start3A_130 = arith.constant 0 : i32
      %dma_start3A_131 = arith.constant 0 : i32
      %dma_start3A_132 = tpu.memref_slice %arg8[%dma_start3A_130, %dma_start3A_131] : memref<8192x128xf32, #tpu.memory_space<vmem_shared>> -> memref<8192x128xf32, #tpu.memory_space<vmem_shared>>
      tpu.enqueue_indirect_dma source(%arg7 : memref<128x128xf32, #tpu.memory_space<vmem>>) target(%dma_start3A_132 : memref<8192x128xf32, #tpu.memory_space<vmem_shared>>) offsets(%dma_start3A_129 : memref<128xi32, #tpu.memory_space<vmem>>) semaphore(%run_scoped3A_126 : memref<!tpu.dma_semaphore, #tpu.memory_space<semaphore_mem>>) {add = true}
      %dma_wait3A_133 = arith.constant 0 : i32
      %dma_wait3A_134 = tpu.memref_slice %arg6[%run_scoped3A_69, %dma_wait3A_133] : memref<4x128xi32, #tpu.memory_space<vmem>> -> memref<1x128xi32, #tpu.memory_space<vmem>>
      %dma_wait3A_135 = tpu.memref_squeeze %dma_wait3A_134 : memref<1x128xi32, #tpu.memory_space<vmem>> -> memref<128xi32, #tpu.memory_space<vmem>>
      %dma_wait3A_136 = arith.constant 0 : i32
      %dma_wait3A_137 = arith.constant 0 : i32
      %dma_wait3A_138 = tpu.memref_slice %arg8[%dma_wait3A_136, %dma_wait3A_137] : memref<8192x128xf32, #tpu.memory_space<vmem_shared>> -> memref<8192x128xf32, #tpu.memory_space<vmem_shared>>
      tpu.wait_indirect_dma semaphore(%run_scoped3A_126 : memref<!tpu.dma_semaphore, #tpu.memory_space<semaphore_mem>>) src(%arg7 : memref<128x128xf32, #tpu.memory_space<vmem>>) dst(%dma_wait3A_138 : memref<8192x128xf32, #tpu.memory_space<vmem_shared>>)
      tpu.yield
    }) : () -> ()
    %add3A_70 = arith.constant 128 : i32
    %add3A_71 = arith.addi %mul3A_4, %add3A_70 : i32
    %add3A_72 = arith.constant 4096 : i32
    %add3A_73 = arith.addi %add3A_72, %mul3A_2 : i32
    %dma_start3A_74 = arith.constant 0 : i32
    %dma_start3A_75 = tpu.memref_slice %arg5[%add3A_73, %dma_start3A_74] : memref<16384x128xf32, #tpu.memory_space<hbm>> -> memref<128x128xf32, #tpu.memory_space<hbm>>
    %dma_start3A_76 = arith.constant 0 : i32
    %dma_start3A_77 = tpu.memref_slice %arg8[%add3A_71, %dma_start3A_76] : memref<8192x128xf32, #tpu.memory_space<vmem_shared>> -> memref<128x128xf32, #tpu.memory_space<vmem_shared>>
    tpu.enqueue_dma source(%dma_start3A_77 : memref<128x128xf32, #tpu.memory_space<vmem_shared>>) target(%dma_start3A_75 : memref<128x128xf32, #tpu.memory_space<hbm>>) target_semaphore(%arg10 : memref<!tpu.dma_semaphore, #tpu.memory_space<semaphore_mem>>)
    %dma_wait3A_78 = arith.constant 2 : i32
    %dma_wait3A_79 = tpu.memref_slice %arg9[%dma_wait3A_78] : memref<4x!tpu.dma_semaphore, #tpu.memory_space<semaphore_mem>> -> memref<1x!tpu.dma_semaphore, #tpu.memory_space<semaphore_mem>>
    %dma_wait3A_80 = tpu.memref_squeeze %dma_wait3A_79 : memref<1x!tpu.dma_semaphore, #tpu.memory_space<semaphore_mem>> -> memref<!tpu.dma_semaphore, #tpu.memory_space<semaphore_mem>>
    %dma_wait3A_81 = arith.constant 0 : i32
    %dma_wait3A_82 = tpu.memref_slice %arg8[%add3A_29, %dma_wait3A_81] : memref<8192x128xf32, #tpu.memory_space<vmem_shared>> -> memref<128x128xf32, #tpu.memory_space<vmem_shared>>
    %dma_wait3A_83 = arith.constant 0 : i32
    %dma_wait3A_84 = tpu.memref_slice %arg2[%add3A_27, %dma_wait3A_83] : memref<16384x128xf32, #tpu.memory_space<hbm>> -> memref<128x128xf32, #tpu.memory_space<hbm>>
    tpu.wait_dma2 semaphore(%dma_wait3A_80 : memref<!tpu.dma_semaphore, #tpu.memory_space<semaphore_mem>>) src(%dma_wait3A_84 : memref<128x128xf32, #tpu.memory_space<hbm>>) dst(%dma_wait3A_82 : memref<128x128xf32, #tpu.memory_space<vmem_shared>>)
    %run_scoped3A_85 = arith.constant 2 : i32
    "tpu.region"() ({
      %run_scoped3A_126 = tpu.sem_alloc : memref<!tpu.dma_semaphore, #tpu.memory_space<semaphore_mem>>
      %dma_start3A_127 = arith.constant 0 : i32
      %dma_start3A_128 = tpu.memref_slice %arg6[%run_scoped3A_85, %dma_start3A_127] : memref<4x128xi32, #tpu.memory_space<vmem>> -> memref<1x128xi32, #tpu.memory_space<vmem>>
      %dma_start3A_129 = tpu.memref_squeeze %dma_start3A_128 : memref<1x128xi32, #tpu.memory_space<vmem>> -> memref<128xi32, #tpu.memory_space<vmem>>
      %dma_start3A_130 = arith.constant 0 : i32
      %dma_start3A_131 = arith.constant 0 : i32
      %dma_start3A_132 = tpu.memref_slice %arg8[%dma_start3A_130, %dma_start3A_131] : memref<8192x128xf32, #tpu.memory_space<vmem_shared>> -> memref<8192x128xf32, #tpu.memory_space<vmem_shared>>
      tpu.enqueue_indirect_dma source(%arg7 : memref<128x128xf32, #tpu.memory_space<vmem>>) target(%dma_start3A_132 : memref<8192x128xf32, #tpu.memory_space<vmem_shared>>) offsets(%dma_start3A_129 : memref<128xi32, #tpu.memory_space<vmem>>) semaphore(%run_scoped3A_126 : memref<!tpu.dma_semaphore, #tpu.memory_space<semaphore_mem>>) {add = true}
      %dma_wait3A_133 = arith.constant 0 : i32
      %dma_wait3A_134 = tpu.memref_slice %arg6[%run_scoped3A_85, %dma_wait3A_133] : memref<4x128xi32, #tpu.memory_space<vmem>> -> memref<1x128xi32, #tpu.memory_space<vmem>>
      %dma_wait3A_135 = tpu.memref_squeeze %dma_wait3A_134 : memref<1x128xi32, #tpu.memory_space<vmem>> -> memref<128xi32, #tpu.memory_space<vmem>>
      %dma_wait3A_136 = arith.constant 0 : i32
      %dma_wait3A_137 = arith.constant 0 : i32
      %dma_wait3A_138 = tpu.memref_slice %arg8[%dma_wait3A_136, %dma_wait3A_137] : memref<8192x128xf32, #tpu.memory_space<vmem_shared>> -> memref<8192x128xf32, #tpu.memory_space<vmem_shared>>
      tpu.wait_indirect_dma semaphore(%run_scoped3A_126 : memref<!tpu.dma_semaphore, #tpu.memory_space<semaphore_mem>>) src(%arg7 : memref<128x128xf32, #tpu.memory_space<vmem>>) dst(%dma_wait3A_138 : memref<8192x128xf32, #tpu.memory_space<vmem_shared>>)
      tpu.yield
    }) : () -> ()
    %add3A_86 = arith.constant 256 : i32
    %add3A_87 = arith.addi %mul3A_4, %add3A_86 : i32
    %add3A_88 = arith.constant 8192 : i32
    %add3A_89 = arith.addi %add3A_88, %mul3A_2 : i32
    %dma_start3A_90 = arith.constant 0 : i32
    %dma_start3A_91 = tpu.memref_slice %arg5[%add3A_89, %dma_start3A_90] : memref<16384x128xf32, #tpu.memory_space<hbm>> -> memref<128x128xf32, #tpu.memory_space<hbm>>
    %dma_start3A_92 = arith.constant 0 : i32
    %dma_start3A_93 = tpu.memref_slice %arg8[%add3A_87, %dma_start3A_92] : memref<8192x128xf32, #tpu.memory_space<vmem_shared>> -> memref<128x128xf32, #tpu.memory_space<vmem_shared>>
    tpu.enqueue_dma source(%dma_start3A_93 : memref<128x128xf32, #tpu.memory_space<vmem_shared>>) target(%dma_start3A_91 : memref<128x128xf32, #tpu.memory_space<hbm>>) target_semaphore(%arg10 : memref<!tpu.dma_semaphore, #tpu.memory_space<semaphore_mem>>)
    %dma_wait3A_94 = arith.constant 3 : i32
    %dma_wait3A_95 = tpu.memref_slice %arg9[%dma_wait3A_94] : memref<4x!tpu.dma_semaphore, #tpu.memory_space<semaphore_mem>> -> memref<1x!tpu.dma_semaphore, #tpu.memory_space<semaphore_mem>>
    %dma_wait3A_96 = tpu.memref_squeeze %dma_wait3A_95 : memref<1x!tpu.dma_semaphore, #tpu.memory_space<semaphore_mem>> -> memref<!tpu.dma_semaphore, #tpu.memory_space<semaphore_mem>>
    %dma_wait3A_97 = arith.constant 0 : i32
    %dma_wait3A_98 = tpu.memref_slice %arg8[%add3A_40, %dma_wait3A_97] : memref<8192x128xf32, #tpu.memory_space<vmem_shared>> -> memref<128x128xf32, #tpu.memory_space<vmem_shared>>
    %dma_wait3A_99 = arith.constant 0 : i32
    %dma_wait3A_100 = tpu.memref_slice %arg2[%add3A_38, %dma_wait3A_99] : memref<16384x128xf32, #tpu.memory_space<hbm>> -> memref<128x128xf32, #tpu.memory_space<hbm>>
    tpu.wait_dma2 semaphore(%dma_wait3A_96 : memref<!tpu.dma_semaphore, #tpu.memory_space<semaphore_mem>>) src(%dma_wait3A_100 : memref<128x128xf32, #tpu.memory_space<hbm>>) dst(%dma_wait3A_98 : memref<128x128xf32, #tpu.memory_space<vmem_shared>>)
    %run_scoped3A_101 = arith.constant 3 : i32
    "tpu.region"() ({
      %run_scoped3A_126 = tpu.sem_alloc : memref<!tpu.dma_semaphore, #tpu.memory_space<semaphore_mem>>
      %dma_start3A_127 = arith.constant 0 : i32
      %dma_start3A_128 = tpu.memref_slice %arg6[%run_scoped3A_101, %dma_start3A_127] : memref<4x128xi32, #tpu.memory_space<vmem>> -> memref<1x128xi32, #tpu.memory_space<vmem>>
      %dma_start3A_129 = tpu.memref_squeeze %dma_start3A_128 : memref<1x128xi32, #tpu.memory_space<vmem>> -> memref<128xi32, #tpu.memory_space<vmem>>
      %dma_start3A_130 = arith.constant 0 : i32
      %dma_start3A_131 = arith.constant 0 : i32
      %dma_start3A_132 = tpu.memref_slice %arg8[%dma_start3A_130, %dma_start3A_131] : memref<8192x128xf32, #tpu.memory_space<vmem_shared>> -> memref<8192x128xf32, #tpu.memory_space<vmem_shared>>
      tpu.enqueue_indirect_dma source(%arg7 : memref<128x128xf32, #tpu.memory_space<vmem>>) target(%dma_start3A_132 : memref<8192x128xf32, #tpu.memory_space<vmem_shared>>) offsets(%dma_start3A_129 : memref<128xi32, #tpu.memory_space<vmem>>) semaphore(%run_scoped3A_126 : memref<!tpu.dma_semaphore, #tpu.memory_space<semaphore_mem>>) {add = true}
      %dma_wait3A_133 = arith.constant 0 : i32
      %dma_wait3A_134 = tpu.memref_slice %arg6[%run_scoped3A_101, %dma_wait3A_133] : memref<4x128xi32, #tpu.memory_space<vmem>> -> memref<1x128xi32, #tpu.memory_space<vmem>>
      %dma_wait3A_135 = tpu.memref_squeeze %dma_wait3A_134 : memref<1x128xi32, #tpu.memory_space<vmem>> -> memref<128xi32, #tpu.memory_space<vmem>>
      %dma_wait3A_136 = arith.constant 0 : i32
      %dma_wait3A_137 = arith.constant 0 : i32
      %dma_wait3A_138 = tpu.memref_slice %arg8[%dma_wait3A_136, %dma_wait3A_137] : memref<8192x128xf32, #tpu.memory_space<vmem_shared>> -> memref<8192x128xf32, #tpu.memory_space<vmem_shared>>
      tpu.wait_indirect_dma semaphore(%run_scoped3A_126 : memref<!tpu.dma_semaphore, #tpu.memory_space<semaphore_mem>>) src(%arg7 : memref<128x128xf32, #tpu.memory_space<vmem>>) dst(%dma_wait3A_138 : memref<8192x128xf32, #tpu.memory_space<vmem_shared>>)
      tpu.yield
    }) : () -> ()
    %add3A_102 = arith.constant 384 : i32
    %add3A_103 = arith.addi %mul3A_4, %add3A_102 : i32
    %add3A_104 = arith.constant 12288 : i32
    %add3A_105 = arith.addi %add3A_104, %mul3A_2 : i32
    %dma_start3A_106 = arith.constant 0 : i32
    %dma_start3A_107 = tpu.memref_slice %arg5[%add3A_105, %dma_start3A_106] : memref<16384x128xf32, #tpu.memory_space<hbm>> -> memref<128x128xf32, #tpu.memory_space<hbm>>
    %dma_start3A_108 = arith.constant 0 : i32
    %dma_start3A_109 = tpu.memref_slice %arg8[%add3A_103, %dma_start3A_108] : memref<8192x128xf32, #tpu.memory_space<vmem_shared>> -> memref<128x128xf32, #tpu.memory_space<vmem_shared>>
    tpu.enqueue_dma source(%dma_start3A_109 : memref<128x128xf32, #tpu.memory_space<vmem_shared>>) target(%dma_start3A_107 : memref<128x128xf32, #tpu.memory_space<hbm>>) target_semaphore(%arg10 : memref<!tpu.dma_semaphore, #tpu.memory_space<semaphore_mem>>)
    %dma_wait3A_110 = arith.constant 0 : i32
    %dma_wait3A_111 = tpu.memref_slice %arg5[%add3A_57, %dma_wait3A_110] : memref<16384x128xf32, #tpu.memory_space<hbm>> -> memref<128x128xf32, #tpu.memory_space<hbm>>
    %dma_wait3A_112 = arith.constant 0 : i32
    %dma_wait3A_113 = tpu.memref_slice %arg8[%add3A_55, %dma_wait3A_112] : memref<8192x128xf32, #tpu.memory_space<vmem_shared>> -> memref<128x128xf32, #tpu.memory_space<vmem_shared>>
    tpu.wait_dma2 semaphore(%arg10 : memref<!tpu.dma_semaphore, #tpu.memory_space<semaphore_mem>>) src(%dma_wait3A_113 : memref<128x128xf32, #tpu.memory_space<vmem_shared>>) dst(%dma_wait3A_111 : memref<128x128xf32, #tpu.memory_space<hbm>>)
    %dma_wait3A_114 = arith.constant 0 : i32
    %dma_wait3A_115 = tpu.memref_slice %arg5[%add3A_73, %dma_wait3A_114] : memref<16384x128xf32, #tpu.memory_space<hbm>> -> memref<128x128xf32, #tpu.memory_space<hbm>>
    %dma_wait3A_116 = arith.constant 0 : i32
    %dma_wait3A_117 = tpu.memref_slice %arg8[%add3A_71, %dma_wait3A_116] : memref<8192x128xf32, #tpu.memory_space<vmem_shared>> -> memref<128x128xf32, #tpu.memory_space<vmem_shared>>
    tpu.wait_dma2 semaphore(%arg10 : memref<!tpu.dma_semaphore, #tpu.memory_space<semaphore_mem>>) src(%dma_wait3A_117 : memref<128x128xf32, #tpu.memory_space<vmem_shared>>) dst(%dma_wait3A_115 : memref<128x128xf32, #tpu.memory_space<hbm>>)
    %dma_wait3A_118 = arith.constant 0 : i32
    %dma_wait3A_119 = tpu.memref_slice %arg5[%add3A_89, %dma_wait3A_118] : memref<16384x128xf32, #tpu.memory_space<hbm>> -> memref<128x128xf32, #tpu.memory_space<hbm>>
    %dma_wait3A_120 = arith.constant 0 : i32
    %dma_wait3A_121 = tpu.memref_slice %arg8[%add3A_87, %dma_wait3A_120] : memref<8192x128xf32, #tpu.memory_space<vmem_shared>> -> memref<128x128xf32, #tpu.memory_space<vmem_shared>>
    tpu.wait_dma2 semaphore(%arg10 : memref<!tpu.dma_semaphore, #tpu.memory_space<semaphore_mem>>) src(%dma_wait3A_121 : memref<128x128xf32, #tpu.memory_space<vmem_shared>>) dst(%dma_wait3A_119 : memref<128x128xf32, #tpu.memory_space<hbm>>)
    %dma_wait3A_122 = arith.constant 0 : i32
    %dma_wait3A_123 = tpu.memref_slice %arg5[%add3A_105, %dma_wait3A_122] : memref<16384x128xf32, #tpu.memory_space<hbm>> -> memref<128x128xf32, #tpu.memory_space<hbm>>
    %dma_wait3A_124 = arith.constant 0 : i32
    %dma_wait3A_125 = tpu.memref_slice %arg8[%add3A_103, %dma_wait3A_124] : memref<8192x128xf32, #tpu.memory_space<vmem_shared>> -> memref<128x128xf32, #tpu.memory_space<vmem_shared>>
    tpu.wait_dma2 semaphore(%arg10 : memref<!tpu.dma_semaphore, #tpu.memory_space<semaphore_mem>>) src(%dma_wait3A_125 : memref<128x128xf32, #tpu.memory_space<vmem_shared>>) dst(%dma_wait3A_123 : memref<128x128xf32, #tpu.memory_space<hbm>>)
    return
  }
}

</mosaic_0001>

<sc_bundles>
// kernel: kernel.3.cloned.1.call-start
scs
__scs_entry_jumppad:
0x0: {  	(pc) =	sbr.rel $0x88, $3  }
0x1: {  	(tag) =	ssettag $0x0;
	lr =	simm.s32 $0x1  }
0x2: {  	[smem:$0x3F9F] =	sst lr;
	_ =	strace $0xD0000000  }
0x3: {  	_ = 	snop  }
0x4: {  	_ = 	snop  }
0x5: {  	_ = 	snop  }
0x6: {  	_ = 	snop  }
0x7: {  	_ = 	snop  }
__scs_overlays_trampoline_lowered:
0x8: {  	[smem:$0x3FAE] =	sst s0  }
0x9: {  	[smem:$0x3FAF] =	sst s1  }
0xa: {  	[smem:$0x3FB0] =	sst s2  }
0xb: {  	[smem:$0x3FB1] =	sst s3  }
0xc: {  	[smem:$0x3FB2] =	sst s4  }
0xd: {  	[smem:$0x3FB3] =	sst s5  }
0xe: {  	[smem:$0x3FB4] =	sst s6  }
0xf: {  	[smem:$0x3FB5] =	sst s7  }
0x10: {  	[smem:$0x3FB6] =	sst s8  }
0x11: {  	[smem:$0x3FB7] =	sst s9;
	s0 =	simm.s32 @!p0 $0x0  }
0x12: {  	s1 =	sld [smem:$0x3F9D];
	s0 =	simm.s32 @p0 $0x1  }
0x13: {  	[smem:$0x3FB8] =	sst s0;
	s0 =	simm.s32 @!p1 $0x0  }
0x14: {  	s2 =	sld [smem:$0x3F9C];
	s0 =	simm.s32 @p1 $0x1  }
0x15: {  	[smem:$0x3FB9] =	sst s0;
	s0 =	simm.s32 @!p2 $0x0  }
0x16: {  	s3 =	sld [smem:$0x3FDB];
	s0 =	simm.s32 @p2 $0x1  }
0x17: {  	s4 =	simm.s32 $0x1BF5;
	[smem:$0x3FBB] =	sst s0  }
0x18: {  	s0 =	sld [smem:$0x3F9E];
	_ =	swait.ge [sflag:s4], $0x0  }
0x19: {  	s7 =	sld [smem:$0x3F9F]  }
0x1a: {  	s8 =	sadd.s32 $0xFFFFE003, lr  }
0x1b: {  	s9 =	sadd.s32 $0xFFFFFEF7, lr;
	s5 =	simm.s32 $0xFFFFFFFF;
	p2 =	slt.u32 s8, $0xFFFFF086  }
0x1c: {  	p1 =	slt.u32 s9, $0xF7A;
	s5 =	simm.s32 @!p2 $0x0  }
0x1d: {  	s5 =	simm.s32 @p1 $0x1;
	p0 =	seq.s32 s7, s2  }
0x1e: {  	s7 =	smul.u32 @!p0 $0xF7A, s2;
	p2 =	seq.s32 @!p0 s5, $0x0  }
0x1f: {  	s9 =	smul.u32 $0xF7A, s1;
	s8 =	simm.s32 @!p0 $0x1BF5;
	p2 =	por !p2, p0  }
0x20: {  	[sflag:s8] =	ssyncset.s32 @!p0 $0xFFFFF086;
	s6 =	sadd.s32 @!p0 s3, s7;
	s7 =	simm.s32 @!p0 $0x108  }
0x21: {  	s3 =	sadd.s32 s3, s9;
	s6 =	sadd.s32 @!p0 $0x88, s6;
	s7 =	simm.s32 @p2 $0x1082  }
0x22: {  	[simem:s7], [sflag:s8] =	dma.local @!p0 [hbm:s6], $0xF7A  }
0x23: {  	s9 =	sor.u32 $0xD0000000, s2;
	s6 =	simm.s32 $0x108;
	_ =	swait.ge @!p0 [sflag:s8], $0x0  }
0x24: {  	s3 =	sadd.s32 $0x88, s3;
	s6 =	simm.s32 @!p1 $0x1082;
	[sflag:s4] =	ssyncset.s32 $0xFFFFF086  }
0x25: {  	[simem:s6], [sflag:s4] =	dma.local [hbm:s3], $0xF7A  }
0x26: {  	[smem:$0x3F9F] =	sst s1;
	(tag) =	ssettag s2;
	_ =	strace s9  }
0x27: {  	s1 =	sld [smem:$0x3FAF]  }
0x28: {  	s2 =	sld [smem:$0x3FB0]  }
0x29: {  	s4 =	sld [smem:$0x3FB2]  }
0x2a: {  	p0 =	seq.s32 s5, $0x0;
	s5 =	sld [smem:$0x3FB3]  }
0x2b: {  	s6 =	sld [smem:$0x3FB4]  }
0x2c: {  	s7 =	sld [smem:$0x3FB5]  }
0x2d: {  	s3 =	simm.s32 $0x108;
	s8 =	sld [smem:$0x3FB6]  }
0x2e: {  	s3 =	simm.s32 @!p0 $0x1082;
	s9 =	sld [smem:$0x3FB7]  }
0x2f: {  	lr =	sadd.s32 s0, s3;
	s0 =	sld [smem:$0x3FAE]  }
0x30: {  	s3 =	sld [smem:$0x3FB1]  }
0x31: {  	[smem:$0x3FBA] =	sst s10  }
0x32: {  	s10 =	sld [smem:$0x3FB8];
	_ =	sdelay $0x3  }
0x33: {  	p0 =	seq.s32 s10, $0x1;
	s10 =	sld [smem:$0x3FBA];
	_ =	sdelay $0x3  }
0x34: {  	[smem:$0x3FBA] =	sst s10  }
0x35: {  	s10 =	sld [smem:$0x3FB9];
	_ =	sdelay $0x3  }
0x36: {  	p1 =	seq.s32 s10, $0x1;
	s10 =	sld [smem:$0x3FBA];
	_ =	sdelay $0x3  }
0x37: {  	[smem:$0x3FBA] =	sst s10  }
0x38: {  	s10 =	sld [smem:$0x3FBB]  }
0x39: {  	_ = 	snop;
	(pc) =	sbr.ind lr, $3  }
0x3a: {  	_ = 	snop  }
0x3b: {  	_ = 	snop  }
0x3c: {  	p2 =	seq.s32 s10, $0x1;
	s10 =	sld [smem:$0x3FBA]  }
0x3d: {  	_ =	shalt  }
0x3e: {  	_ =	shalt  }
0x3f: {  	_ =	shalt  }
0x40: {  	_ =	shalt  }
0x41: {  	_ =	shalt  }
0x42: {  	_ =	shalt  }
0x43: {  	_ =	shalt  }
0x44: {  	_ =	shalt  }
0x45: {  	_ =	shalt  }
0x46: {  	_ =	shalt  }
0x47: {  	_ =	shalt  }
0x48: {  	_ =	shalt  }
0x49: {  	_ =	shalt  }
0x4a: {  	_ =	shalt  }
0x4b: {  	_ =	shalt  }
0x4c: {  	_ =	shalt  }
0x4d: {  	_ =	shalt  }
0x4e: {  	_ =	shalt  }
0x4f: {  	_ =	shalt  }
0x50: {  	_ =	shalt  }
0x51: {  	_ =	shalt  }
0x52: {  	_ =	shalt  }
0x53: {  	_ =	shalt  }
0x54: {  	_ =	shalt  }
0x55: {  	_ =	shalt  }
0x56: {  	_ =	shalt  }
0x57: {  	_ =	shalt  }
0x58: {  	_ =	shalt  }
0x59: {  	_ =	shalt  }
0x5a: {  	_ =	shalt  }
0x5b: {  	_ =	shalt  }
0x5c: {  	_ =	shalt  }
0x5d: {  	_ =	shalt  }
0x5e: {  	_ =	shalt  }
0x5f: {  	_ =	shalt  }
0x60: {  	_ =	shalt  }
0x61: {  	_ =	shalt  }
0x62: {  	_ =	shalt  }
0x63: {  	_ =	shalt  }
0x64: {  	_ =	shalt  }
0x65: {  	_ =	shalt  }
0x66: {  	_ =	shalt  }
0x67: {  	_ =	shalt  }
0x68: {  	_ =	shalt  }
0x69: {  	_ =	shalt  }
0x6a: {  	_ =	shalt  }
0x6b: {  	_ =	shalt  }
0x6c: {  	_ =	shalt  }
0x6d: {  	_ =	shalt  }
0x6e: {  	_ =	shalt  }
0x6f: {  	_ =	shalt  }
0x70: {  	_ =	shalt  }
0x71: {  	_ =	shalt  }
0x72: {  	_ =	shalt  }
0x73: {  	_ =	shalt  }
0x74: {  	_ =	shalt  }
0x75: {  	_ =	shalt  }
0x76: {  	_ =	shalt  }
0x77: {  	_ =	shalt  }
0x78: {  	_ =	shalt  }
0x79: {  	_ =	shalt  }
0x7a: {  	_ =	shalt  }
0x7b: {  	_ =	shalt  }
0x7c: {  	_ =	shalt  }
0x7d: {  	_ =	shalt  }
0x7e: {  	_ =	shalt  }
0x7f: {  	_ =	shalt  }
0x80: {  	_ =	shalt  }
0x81: {  	_ =	shalt  }
0x82: {  	_ =	shalt  }
0x83: {  	_ =	shalt  }
0x84: {  	_ =	shalt  }
0x85: {  	_ =	shalt  }
0x86: {  	_ =	shalt  }
0x87: {  	_ =	shalt  }
.Lfunc_end0:
.L_simem_size_0:
called_computation_lowered:
.L_overlay_start_0:
0x88: {  	s2 =	sld [smem:$0x3FD9]  }
0x89: {  	s3 =	sld [smem:$0x3FFE];
	_ =	sdelay $0x1  }
0x8a: {  	s1 =	srdreg.scid  }
0x8b: {  	s0 =	sand.u32 $0x1, s1  }
0x8c: {  	s17 =	sshll.u32 s0, $0xA;
	s2 =	sadd.s32 s3, s2  }
0x8d: {  	s2 =	sadd.s32 s2, s17  }
0x8e: {  	[smem:$0x3FC6] =	sst s2  }
0x8f: {  	_ = 	snop  }
0x90: {  	s2 =	sld [smem:$0x3FC9]  }
0x91: {  	s18 =	sld [smem:$0x3FC8]  }
0x92: {  	s4 =	sld [smem:$0x3FD0];
	(tm) =	ssettm $0x1  }
0x93: {  	s5 =	sld [smem:$0x3FFB];
	_ =	sdelay $0x3  }
0x94: {  	_ =	strace s5  }
0x95: {  	s5 =	sld [smem:$0x3FFC];
	_ =	sdelay $0x3  }
0x96: {  	_ =	strace s5  }
0x97: {  	s5 =	sld [smem:$0x3FFD];
	_ =	sdelay $0x3  }
0x98: {  	_ =	strace s5  }
0x99: {  	_ =	strace $0x8FFFFFFF  }
0x9a: {  	s19 =	sld [smem:$0x3FDB];
	_ =	sdelay $0x1  }
0x9b: {  	s6 =	simm.s32 $_scs_section_size  }
0x9c: {  	s7 =	simm.s32 $_size__tile_overlayer_lowered;
	s8 =	simm.s32 $_tile_overlayer_lowered  }
0x9d: {  	s22 =	simm.s32 $0x1BFF;
	s21 =	sshll.u32 s8, $0x1;
	s5 =	sadd.s32 s6, s19  }
0x9e: {  	s9 =	simm.s32 $0x0;
	s20 =	sshll.u32 s7, $0x1;
	s7 =	sadd.s32 s21, s5  }
0x9f: {  	[timem:s9], [sflag:s22] =	dma.local [hbm:s7], s20  }
0xa0: {  	_ =	swait.ge [sflag:s22], s20  }
0xa1: {  	s6 =	ssub.s32 $0x0, s20;
	[sflag:s22] =	ssyncset.done $0x0  }
0xa2: {  	[sflag:s22] =	ssyncadd.s32 s6;
	_ =	sdelay $0x1  }
0xa3: {  	s23 =	simm.s32 $0x1B8B  }
0xa4: {  	_ =	swait.ge [sflag:s23], $0x1  }
0xa5: {  	[sflag:s23] =	ssyncset.done $0x0  }
0xa6: {  	s25 =	simm.s32 $0x1B8E;
	s24 =	sld [smem:$0x3FFE];
	[sflag:s23] =	ssyncadd.s32 $0xFFFFFFFF  }
0xa7: {  	s26 =	simm.s32 $execute0_lowered;
	[smem:$0x3FD2] =	sst s25  }
0xa8: {  	s7 =	sshll.u32 s26, $0x1;
	_ =	strace $0x80000046;
	[dreg:$0x1] =	wrdreg $0xFFFFFFFF  }
0xa9: {  	s28 =	simm.s32 $_size_execute0_lowered;
	s5 =	sadd.s32 s5, s7;
	[dreg:$0x0] =	wrdreg $0x0  }
0xaa: {  	s7 =	sshll.u32 s28, $0x1;
	[dreg:$0x2] =	wrdreg s5  }
0xab: {  	[dreg:$0x3] =	wrdreg s7  }
0xac: {  	[dreg:$0x4] =	wrdreg $0xC0  }
0xad: {  	_ =	task [dreg:s9], $0x5FFFF  }
0xae: {  	[dreg:$0x1] =	wrdreg $0xFFFFFFFF  }
0xaf: {  	[dreg:$0x0] =	wrdreg $0x60  }
0xb0: {  	[dreg:$0x2] =	wrdreg s2  }
0xb1: {  	[dreg:$0x3] =	wrdreg s18  }
0xb2: {  	[dreg:$0x4] =	wrdreg s24  }
0xb3: {  	[dreg:$0x5] =	wrdreg s4  }
0xb4: {  	[dreg:$0x6] =	wrdreg $0x42000  }
0xb5: {  	[dreg:$0x7] =	wrdreg $0x9  }
0xb6: {  	_ =	task.clear_ibuf [dreg:s9], $0x8FFFF;
	_ =	strace $0x90000046  }
0xb7: {  	s29 =	simm.s32 $0x9;
	_ =	strace $0x80000048  }
0xb8: {  	_ =	swait.ge [sflag:s29], $0x1  }
0xb9: {  	[sflag:s29] =	ssyncadd.s32 $0xFFFFFFFF  }
0xba: {  	_ =	strace $0x90000048  }
0xbb: {  	_ =	sfence  }
0xbc: {  	s30 =	sld [smem:$0x0];
	_ =	sdelay $0x2  }
0xbd: {  	s31 =	sshll.u32 s1, $0xD;
	s1 =	sshrl.u32 s1, $0x2  }
0xbe: {  	s3 =	sand.u32 $0x4000, s31;
	s1 =	sadd.s32 s1, s30  }
0xbf: {  	s0 =	sor.u32 s3, s0;
	s1 =	sshll.u32 s1, $0x11  }
0xc0: {  	s0 =	sor.u32 s1, s0  }
0xc1: {  	s0 =	sadd.s32 $0x8F2B, s0  }
0xc2: {  	[sflag:s0] =	ssyncadd.remote.s32 $0x1  }
0xc3: {  	_ =	sfence.sel $0xFFFF  }
0xc4: {  	[dreg:$0x0] =	wrdreg $0xFFFFFFFF;
	(pc) =	sbr.abs _section_cstart, $3  }
0xc5: {  	[dreg:$0x1] =	wrdreg $0xFFFFFFFF  }
0xc6: {  	_ =	task.clear_ibuf [dreg:s9], $0x2FFFF;
	_ =	strace $0x9FFFFFFF  }
0xc7: {  	(tm) =	ssettm $0x7FFFFFFF  }
tec
execute0_lowered:
.L_overlay_start_1:
0x0: {  	(tag) =	ssettag $0x1  }
0x1: {  	s5 =	rddreg [dreg:$0x0]  }
0x2: {  	s15 =	rddreg [dreg:$0x1]  }
0x3: {  	s4 =	rddreg [dreg:$0x2]  }
0x4: {  	s29 =	rddreg [dreg:$0x3]  }
0x5: {  	s2 =	rddreg [dreg:$0x4]  }
0x6: {  	s3 =	srdreg.scid;
	s0 =	stileid.u32;
	s13 =	simm.s32 $0x6  }
0x7: {  	s31 =	sand.u32 $0x1, s3;
	s3 =	simm.s32 $0x0;
	s6 =	sshll.u32 s0, $0xC  }
0x8: {  	s20 =	sshll.u32 s0, $0x6;
	s25 =	sshll.u32 s0, $0x10;
	s7 =	sshll.u32 s31, $0xB  }
0x9: {  	[smem:$0x7FF] =	sst s3;
	s23 =	sor.u32 $0x1C01, s20;
	s8 =	sadd.s32 s20, s4  }
0xa: {  	s26 =	sadd.s32 s25, s2;
	s14 =	sor.u32 $0x1C04, s20;
	s19 =	sor.u32 s7, s6  }
0xb: {  	_ =	strace $0x80000047;
	[dreg:$0x7] =	wrdreg s23;
	s9 =	sadd.s32 $0x4000, s26  }
0xc: {  	s11 =	sadd.s32 $0x8000, s26;
	s12 =	sadd.s32 $0xC000, s26;
	s7 =	sadd.s32 $0x400, s8  }
0xd: {  	s8 =	sor.u32 $0x1C02, s20;
	s6 =	sadd.s32 s5, s19;
	s22 =	sor.u32 $0x10000, s19  }
0xe: {  	s25 =	sor.u32 $0x20000, s19;
	s10 =	rddreg [dreg:$0x7];
	s30 =	sor.u32 $0x30000, s19  }
0xf: {  	s9 =	sshrl.u32 s9, $0x3;
	[dreg:$0x6] =	wrdreg s6;
	s24 =	sadd.s32 s5, s22  }
0x10: {  	s11 =	sshrl.u32 s11, $0x3;
	s12 =	sshrl.u32 s12, $0x3;
	[dreg:$0x8] =	wrdreg s24  }
0x11: {  	s4 =	sadd.s32 s5, s25;
	s6 =	sshrl.u32 s26, $0x3;
	s0 =	rddreg [dreg:$0x6]  }
0x12: {  	[spmem:s6], [sflag:s10] =	dma.local [hbm:s0], $0x800  }
0x13: {  	s5 =	sadd.s32 s5, s30;
	s10 =	sor.u32 $0x1C03, s20;
	s16 =	rddreg [dreg:$0x8]  }
0x14: {  	[spmem:s9], [sflag:s8] =	dma.local [hbm:s16], $0x800  }
0x15: {  	[spmem:s11], [sflag:s10] =	dma.local [hbm:s4], $0x800  }
0x16: {  	[spmem:s12], [sflag:s14] =	dma.local [hbm:s5], $0x800  }
0x17: {  	[tilespmem:s3], [sflag:$0x6] =	stream.linear.gather [hbm4b:s7+s3], $0x200, $0x38;
	[tilespmem:$0x14200] =	vst v63  }
0x18: {  	_ =	swait.ge [sflag:s13], $0x200  }
0x19: {  	[sflag:s13] =	ssyncset.done $0x0  }
0x1a: {  	s15 =	sadd.s32 s15, s19;
	s16 =	simm.s32 $0x200;
	[sflag:s13] =	ssyncadd.s32 $0xFFFFFE00  }
0x1b: {  	[tilespmem:s16], [sflag:$0x6] =	stream.linear.gather [hbm4b:s15+s3], $0x4000, $0x38;
	[tilespmem:$0x14200] =	vst v63  }
0x1c: {  	_ =	swait.ge [sflag:s13], $0x4000  }
0x1d: {  	[sflag:s13] =	ssyncset.done $0x0  }
0x1e: {  	s17 =	simm.s32 $0x1;
	[sflag:s13] =	ssyncadd.s32 $0xFFFFC000  }
0x1f: {  	_ =	swait.ge [sflag:s17], $0x800  }
0x20: {  	[sflag:s17] =	ssyncset.done $0x0  }
0x21: {  	s18 =	simm.s32 $0x80;
	[sflag:s17] =	ssyncadd.s32 $0xFFFFF800  }
0x22: {  	[spmem:s2] =	stream.indirect.scatter.add.f32 [tilespmem:s16], [sflag:$0x6], $0x80, s3, s18, $0xb8;
	[tilespmem:$0x14200] =	vst v63  }
0x23: {  	_ =	swait.ge [sflag:s13], $0x4000  }
0x24: {  	s21 =	simm.s32 $0x2;
	[sflag:s13] =	ssyncset.done $0x0  }
0x25: {  	s19 =	sadd.s32 s29, s19;
	s20 =	sor.u32 $0x1C05, s20;
	[sflag:s13] =	ssyncadd.s32 $0xFFFFC000  }
0x26: {  	[hbm:s19], [sflag:s20] =	dma.local [spmem:s6], $0x800  }
0x27: {  	_ =	swait.ge [sflag:s21], $0x800  }
0x28: {  	[sflag:s21] =	ssyncset.done $0x0  }
0x29: {  	[sflag:s21] =	ssyncadd.s32 $0xFFFFF800  }
0x2a: {  	[spmem:s2] =	stream.indirect.scatter.add.f32 [tilespmem:s16], [sflag:$0x6], $0x80, s18, s18, $0xb8;
	[tilespmem:$0x14200] =	vst v63  }
0x2b: {  	_ =	swait.ge [sflag:s13], $0x4000  }
0x2c: {  	[sflag:s13] =	ssyncset.done $0x0  }
0x2d: {  	s23 =	simm.s32 $0x3;
	s22 =	sadd.s32 s29, s22;
	[sflag:s13] =	ssyncadd.s32 $0xFFFFC000  }
0x2e: {  	[hbm:s22], [sflag:s20] =	dma.local [spmem:s9], $0x800  }
0x2f: {  	_ =	swait.ge [sflag:s23], $0x800  }
0x30: {  	[sflag:s23] =	ssyncset.done $0x0  }
0x31: {  	s24 =	simm.s32 $0x100;
	[sflag:s23] =	ssyncadd.s32 $0xFFFFF800  }
0x32: {  	[spmem:s2] =	stream.indirect.scatter.add.f32 [tilespmem:s16], [sflag:$0x6], $0x80, s24, s18, $0xb8;
	[tilespmem:$0x14200] =	vst v63  }
0x33: {  	_ =	swait.ge [sflag:s13], $0x4000  }
0x34: {  	[sflag:s13] =	ssyncset.done $0x0  }
0x35: {  	s25 =	sadd.s32 s29, s25;
	s26 =	simm.s32 $0x4;
	[sflag:s13] =	ssyncadd.s32 $0xFFFFC000  }
0x36: {  	[hbm:s25], [sflag:s20] =	dma.local [spmem:s11], $0x800  }
0x37: {  	_ =	swait.ge [sflag:s26], $0x800  }
0x38: {  	[sflag:s26] =	ssyncset.done $0x0  }
0x39: {  	s28 =	simm.s32 $0x180;
	[sflag:s26] =	ssyncadd.s32 $0xFFFFF800  }
0x3a: {  	[spmem:s2] =	stream.indirect.scatter.add.f32 [tilespmem:s16], [sflag:$0x6], $0x80, s28, s18, $0xb8;
	[tilespmem:$0x14200] =	vst v63  }
0x3b: {  	_ =	swait.ge [sflag:s13], $0x4000  }
0x3c: {  	[sflag:s13] =	ssyncset.done $0x0  }
0x3d: {  	s29 =	sadd.s32 s29, s30;
	s30 =	simm.s32 $0x5;
	[sflag:s13] =	ssyncadd.s32 $0xFFFFC000  }
0x3e: {  	[hbm:s29], [sflag:s20] =	dma.local [spmem:s12], $0x800  }
0x3f: {  	s31 =	ssub.s32 $0x2, s31;
	_ =	swait.ge [sflag:s30], $0x800  }
0x40: {  	s1 =	sshrl.u32 s31, $0x1;
	[sflag:s30] =	ssyncset.done $0x0  }
0x41: {  	s0 =	ssub.s32 s31, s1;
	[sflag:s30] =	ssyncadd.s32 $0xFFFFF800  }
0x42: {  	s0 =	smax.u32 s0, $0x1;
	_ =	swait.ge [sflag:s30], $0x800  }
0x43: {  	p0 =	sne.s32 s0, $0x1;
	[sflag:s30] =	ssyncset.done $0x0  }
.Ltmp0:
0x44: {  	[sflag:s30] =	ssyncadd.s32 $0xFFFFF800;
	(pc) =	sbr.rel @!p0 .LBB2_2-.Ltmp0, $4  }
0x45: {  	_ =	swait.ge [sflag:s30], $0x800  }
0x46: {  	[sflag:s30] =	ssyncset.done $0x0  }
0x47: {  	[sflag:s30] =	ssyncadd.s32 $0xFFFFF800  }
0x48: {  	s31 =	sadd.s32 $0xFFFFFFFF, s0;
	_ =	swait.ge [sflag:s30], $0x800  }
.LBB2_1:
0x49: {  	s0 =	rddreg [dreg:$0x6];
	[sflag:s30] =	ssyncset.done $0x0  }
0x4a: {  	s1 =	rddreg [dreg:$0x7];
	[sflag:s30] =	ssyncadd.s32 $0xFFFFF800  }
0x4b: {  	[spmem:s6], [sflag:s1] =	dma.local [hbm:s0], $0x800  }
0x4c: {  	s0 =	rddreg [dreg:$0x8]  }
0x4d: {  	[spmem:s9], [sflag:s8] =	dma.local [hbm:s0], $0x800  }
0x4e: {  	[spmem:s11], [sflag:s10] =	dma.local [hbm:s4], $0x800  }
0x4f: {  	[spmem:s12], [sflag:s14] =	dma.local [hbm:s5], $0x800  }
0x50: {  	[tilespmem:s3], [sflag:$0x6] =	stream.linear.gather [hbm4b:s7+s3], $0x200, $0x38;
	[tilespmem:$0x14200] =	vst v63  }
0x51: {  	_ =	swait.ge [sflag:s13], $0x200  }
0x52: {  	[sflag:s13] =	ssyncset.done $0x0  }
0x53: {  	[sflag:s13] =	ssyncadd.s32 $0xFFFFFE00  }
0x54: {  	[tilespmem:s16], [sflag:$0x6] =	stream.linear.gather [hbm4b:s15+s3], $0x4000, $0x38;
	[tilespmem:$0x14200] =	vst v63  }
0x55: {  	_ =	swait.ge [sflag:s13], $0x4000  }
0x56: {  	[sflag:s13] =	ssyncset.done $0x0  }
0x57: {  	[sflag:s13] =	ssyncadd.s32 $0xFFFFC000  }
0x58: {  	_ =	swait.ge [sflag:s17], $0x800  }
0x59: {  	[sflag:s17] =	ssyncset.done $0x0  }
0x5a: {  	[sflag:s17] =	ssyncadd.s32 $0xFFFFF800  }
0x5b: {  	[spmem:s2] =	stream.indirect.scatter.add.f32 [tilespmem:s16], [sflag:$0x6], $0x80, s3, s18, $0xb8;
	[tilespmem:$0x14200] =	vst v63  }
0x5c: {  	_ =	swait.ge [sflag:s13], $0x4000  }
0x5d: {  	[sflag:s13] =	ssyncset.done $0x0  }
0x5e: {  	[sflag:s13] =	ssyncadd.s32 $0xFFFFC000  }
0x5f: {  	[hbm:s19], [sflag:s20] =	dma.local [spmem:s6], $0x800  }
0x60: {  	_ =	swait.ge [sflag:s21], $0x800  }
0x61: {  	[sflag:s21] =	ssyncset.done $0x0  }
0x62: {  	[sflag:s21] =	ssyncadd.s32 $0xFFFFF800  }
0x63: {  	[spmem:s2] =	stream.indirect.scatter.add.f32 [tilespmem:s16], [sflag:$0x6], $0x80, s18, s18, $0xb8;
	[tilespmem:$0x14200] =	vst v63  }
0x64: {  	_ =	swait.ge [sflag:s13], $0x4000  }
0x65: {  	[sflag:s13] =	ssyncset.done $0x0  }
0x66: {  	[sflag:s13] =	ssyncadd.s32 $0xFFFFC000  }
0x67: {  	[hbm:s22], [sflag:s20] =	dma.local [spmem:s9], $0x800  }
0x68: {  	_ =	swait.ge [sflag:s23], $0x800  }
0x69: {  	[sflag:s23] =	ssyncset.done $0x0  }
0x6a: {  	[sflag:s23] =	ssyncadd.s32 $0xFFFFF800  }
0x6b: {  	[spmem:s2] =	stream.indirect.scatter.add.f32 [tilespmem:s16], [sflag:$0x6], $0x80, s24, s18, $0xb8;
	[tilespmem:$0x14200] =	vst v63  }
0x6c: {  	_ =	swait.ge [sflag:s13], $0x4000  }
0x6d: {  	[sflag:s13] =	ssyncset.done $0x0  }
0x6e: {  	[sflag:s13] =	ssyncadd.s32 $0xFFFFC000  }
0x6f: {  	[hbm:s25], [sflag:s20] =	dma.local [spmem:s11], $0x800  }
0x70: {  	_ =	swait.ge [sflag:s26], $0x800  }
0x71: {  	[sflag:s26] =	ssyncset.done $0x0  }
0x72: {  	[sflag:s26] =	ssyncadd.s32 $0xFFFFF800  }
0x73: {  	[spmem:s2] =	stream.indirect.scatter.add.f32 [tilespmem:s16], [sflag:$0x6], $0x80, s28, s18, $0xb8;
	[tilespmem:$0x14200] =	vst v63  }
0x74: {  	_ =	swait.ge [sflag:s13], $0x4000  }
0x75: {  	[sflag:s13] =	ssyncset.done $0x0  }
0x76: {  	[sflag:s13] =	ssyncadd.s32 $0xFFFFC000  }
0x77: {  	[hbm:s29], [sflag:s20] =	dma.local [spmem:s12], $0x800  }
0x78: {  	_ =	swait.ge [sflag:s30], $0x800  }
0x79: {  	[sflag:s30] =	ssyncset.done $0x0  }
0x7a: {  	[sflag:s30] =	ssyncadd.s32 $0xFFFFF800  }
0x7b: {  	_ =	swait.ge [sflag:s30], $0x800  }
0x7c: {  	p0 =	sne.s32 s31, $0x1;
	[sflag:s30] =	ssyncset.done $0x0  }
.Ltmp1:
0x7d: {  	[sflag:s30] =	ssyncadd.s32 $0xFFFFF800;
	(pc) =	sbr.rel @p0 .LBB2_1-.Ltmp1, $4  }
0x7e: {  	_ =	swait.ge [sflag:s30], $0x800  }
0x7f: {  	[sflag:s30] =	ssyncset.done $0x0  }
0x80: {  	[sflag:s30] =	ssyncadd.s32 $0xFFFFF800  }
0x81: {  	s31 =	sadd.s32 $0xFFFFFFFF, s31;
	_ =	swait.ge [sflag:s30], $0x800  }
.LBB2_2:
0x82: {  	[sflag:s30] =	ssyncset.done $0x0  }
0x83: {  	[sflag:s30] =	ssyncadd.s32 $0xFFFFF800  }
0x84: {  	_ =	sfence.sel $0x180000  }
0x85: {  	[bflag:$0x0] =	sbarrier.arrive $0xFFFF  }
0x86: {  	_ =	strace $0x90000047  }
0x87: {  	s0 =	stileid.u32;
	[bflag:$0x2] =	sbarrier.arrive $0xFFFF  }
0x88: {  	p0 =	sne.s32 s0, $0x0;
	s0 =	rddreg [dreg:$0x5]  }
0x89: {  	s0 =	sadd.s32 @!p0 $0x100000, s0  }
0x8a: {  	[sflag:s0] =	ssyncadd.tile.s32 @!p0 $0x1;
	_ =	shalt  }
.Lfunc_end2:
_tile_overlayer_lowered:
.L_overlay_start_2:
0x8b: {  	(tag) =	ssettag $0x2  }
0x8c: {  	s0 =	rddreg [dreg:$0x0];
	s2 =	stileid.u32  }
0x8d: {  	s1 =	rddreg [dreg:$0x1];
	p0 =	sne.s32 s2, $0x0  }
0x8e: {  	s3 =	rddreg [dreg:$0x2];
	[bflag:$0x3] =	sbarrier.arrive $0xFFFF;
	s2 =	simm.s32 @!p0 $0x1C06  }
0x8f: {  	[timem:s3], [sflag:s2] =	dma.local @!p0 [hbm:s0], s1  }
0x90: {  	s0 =	simm.s32 @!p0 $0x6  }
0x91: {  	_ =	swait.ge @!p0 [sflag:s0], s1  }
0x92: {  	s1 =	ssub.s32 @!p0 $0x0, s1;
	[sflag:s0] =	ssyncset.done @!p0 $0x0  }
0x93: {  	[sflag:s0] =	ssyncadd.s32 @!p0 s1  }
0x94: {  	[bflag:$0x3] =	sbarrier.arrive $0xFFFF  }
0x95: {  	_ =	shalt  }

</sc_bundles>
